<compile_context>
chip_gen: v7x
topology: tpu7x:2x2x1
jax: 0.10.2.dev20260603
libtpu: 0.0.44.dev20260713+nightly
codegen_flags: <defaults>
</compile_context>

<pallas_src>
import functools

import jax
import jax.numpy as jnp
from jax import lax
from jax.experimental import pallas as pl
from jax.experimental.pallas import tpu as pltpu
from jax.experimental.pallas import tpu_sc as plsc

_K = 20
_KPAD = 32
_NEG = -3.0e38
_LANES = 128


def _score_topk_kernel(bags_ref, w_enc_ref, b_enc_ref, w_att_ref, b_att_ref,
                       idx_ref, w_ref, scores_ref, *, bb, nb_blk, n_total, k):
    b_i = pl.program_id(0)
    n_i = pl.program_id(1)
    num_b = pl.num_programs(0)
    num_n = pl.num_programs(1)

    x = bags_ref[...]
    f = x.shape[-1]
    x2 = x.reshape(bb * nb_blk, f)
    emb = jnp.dot(x2, w_enc_ref[...], preferred_element_type=jnp.float32)
    emb = jnp.maximum(emb + b_enc_ref[...], 0.0)
    s = jnp.dot(emb, w_att_ref[...],
                preferred_element_type=jnp.float32)[:, 0] + b_att_ref[0, 0]
    scores_ref[n_i, pl.ds(b_i * bb, bb), :] = s.reshape(bb, nb_blk)

    @pl.when(jnp.logical_and(b_i == num_b - 1, n_i == num_n - 1))
    def _finalize():
        btot = bb * num_b
        cur = jnp.concatenate([scores_ref[c] for c in range(num_n)],
                              axis=1)
        iota = lax.broadcasted_iota(jnp.int32, (btot, n_total), 1)
        kiota = lax.broadcasted_iota(jnp.int32, (btot, _LANES), 1)

        def body(i, carry):
            cur, vmax, denom, idxs, wacc = carry
            m = jnp.max(cur, axis=1, keepdims=True)
            cand = jnp.where(cur == m, iota, n_total)
            idx = jnp.min(cand, axis=1, keepdims=True)
            cur = jnp.where(iota == idx, _NEG, cur)
            vmax = jnp.where(i == 0, m, vmax)
            wexp = jnp.exp(m - vmax)
            hit = kiota == i
            idxs = jnp.where(hit, idx, idxs)
            wacc = jnp.where(hit, wexp, wacc)
            return cur, vmax, denom + wexp, idxs, wacc

        vmax0 = jnp.full((btot, 1), _NEG, jnp.float32)
        den0 = jnp.zeros((btot, 1), jnp.float32)
        idxs0 = jnp.zeros((btot, _LANES), jnp.int32)
        wacc0 = jnp.zeros((btot, _LANES), jnp.float32)
        _, _, denom, idxs, wacc = lax.fori_loop(
            0, k, body, (cur, vmax0, den0, idxs0, wacc0))

        brow = lax.broadcasted_iota(jnp.int32, (btot, _LANES), 0)
        idx_ref[...] = idxs + brow * n_total
        w_ref[...] = jnp.where(kiota < k, wacc / denom, 0.0)


def _pool_head_kernel(rows_ref, w_ref, w_enc_ref, b_enc_ref, gamma_ref,
                      beta_ref, mean_ref, var_ref, w_head_ref, b_head_ref,
                      out_ref, *, btot, kpad):
    rows = rows_ref[...]
    z = w_enc_ref.shape[-1]
    emb = jnp.dot(rows, w_enc_ref[...], preferred_element_type=jnp.float32)
    emb = jnp.maximum(emb + b_enc_ref[...], 0.0)
    emb3 = emb.reshape(btot, kpad, z)
    w = w_ref[...]
    pooled = jnp.zeros((btot, z), jnp.float32)
    for i in range(kpad):
        pooled = pooled + w[:, i:i + 1] * emb3[:, i, :]
    bn = (pooled - mean_ref[...]) * lax.rsqrt(var_ref[...] + 1e-5)
    bn = bn * gamma_ref[...] + beta_ref[...]
    out = jnp.dot(bn, w_head_ref[...], preferred_element_type=jnp.float32)
    out_ref[...] = out + b_head_ref[...]


def _sc_gather(table, idx_flat):
    g_total, f = idx_flat.shape[0], table.shape[1]
    info = plsc.get_sparse_core_info()
    nw = info.num_cores * info.num_subcores
    g_per_w = g_total // nw
    mesh = plsc.VectorSubcoreMesh(core_axis_name="c", subcore_axis_name="s")

    @functools.partial(
        pl.kernel, mesh=mesh,
        out_type=jax.ShapeDtypeStruct((g_total, f), jnp.float32),
        scratch_types=[
            pltpu.VMEM((g_per_w,), jnp.int32),
            pltpu.VMEM((g_per_w, f), jnp.float32),
            pltpu.SemaphoreType.DMA,
        ],
    )
    def gather_kernel(table_hbm, idx_hbm, out_hbm, idx_v, rows_v, sem):
        wid = lax.axis_index("s") * info.num_cores + lax.axis_index("c")
        base = wid * g_per_w
        pltpu.sync_copy(idx_hbm.at[pl.ds(base, g_per_w)], idx_v)
        pltpu.async_copy(table_hbm.at[idx_v], rows_v, sem).wait()
        pltpu.sync_copy(rows_v, out_hbm.at[pl.ds(base, g_per_w)])

    return gather_kernel(table, idx_flat)


def kernel(bags, W_enc, b_enc, W_att, b_att, bn_gamma, bn_beta, bn_mean,
           bn_var, W_head, b_head):
    B, N, F = bags.shape
    Z = W_enc.shape[1]
    NOUT = W_head.shape[1]
    k = min(_K, N)

    BB = 8 if B % 8 == 0 else B
    NB = 4096 if N % 4096 == 0 else N
    num_n = N // NB

    b_enc2 = b_enc.reshape(1, Z)
    w_att2 = jnp.zeros((Z, _LANES), jnp.float32).at[:, 0:1].set(W_att)
    b_att2 = b_att.reshape(1, 1)

    score_body = functools.partial(_score_topk_kernel, bb=BB, nb_blk=NB,
                                   n_total=N, k=k)
    idx_out, w_out = pl.pallas_call(
        score_body,
        grid=(B // BB, num_n),
        in_specs=[
            pl.BlockSpec((BB, NB, F), lambda b, n: (b, n, 0)),
            pl.BlockSpec((F, Z), lambda b, n: (0, 0)),
            pl.BlockSpec((1, Z), lambda b, n: (0, 0)),
            pl.BlockSpec((Z, _LANES), lambda b, n: (0, 0)),
            pl.BlockSpec((1, 1), lambda b, n: (0, 0)),
        ],
        out_specs=[
            pl.BlockSpec((B, _LANES), lambda b, n: (0, 0)),
            pl.BlockSpec((B, _LANES), lambda b, n: (0, 0)),
        ],
        out_shape=[
            jax.ShapeDtypeStruct((B, _LANES), jnp.int32),
            jax.ShapeDtypeStruct((B, _LANES), jnp.float32),
        ],
        scratch_shapes=[
            pltpu.VMEM((num_n, B, NB), jnp.float32),
        ],
        compiler_params=pltpu.CompilerParams(
            vmem_limit_bytes=100 * 1024 * 1024),
    )(bags, W_enc, b_enc2, w_att2, b_att2)

    idx_flat = idx_out[:, :_KPAD].reshape(B * _KPAD)
    rows = _sc_gather(bags.reshape(B * N, F), idx_flat)

    gamma2 = bn_gamma.reshape(1, Z)
    beta2 = bn_beta.reshape(1, Z)
    mean2 = bn_mean.reshape(1, Z)
    var2 = bn_var.reshape(1, Z)
    w_head_p = jnp.zeros((Z, _LANES), jnp.float32).at[:, :NOUT].set(W_head)
    b_head_p = jnp.zeros((1, _LANES), jnp.float32).at[:, :NOUT].set(b_head)

    pool_body = functools.partial(_pool_head_kernel, btot=B, kpad=_KPAD)
    out = pl.pallas_call(
        pool_body,
        out_shape=jax.ShapeDtypeStruct((B, _LANES), jnp.float32),
    )(rows, w_out, W_enc, b_enc2, gamma2, beta2, mean2, var2,
      w_head_p, b_head_p)
    return out[:, :NOUT]

# --- scband reference (transcript-rebuilt; emitter-appended) ---
"""Pipeline reference for scband-topk-mil-53661321396717 (READ-ONLY COPY).

The authoritative reference and input builder live on the scoring server;
editing this copy changes nothing except your own understanding.
"""

import jax, jax.numpy as jnp
import numpy as np

B, N, F = 64, 8192, 128
Z, NOUT, K = 64, 2, 20


def setup_inputs(seed: int = 0) -> dict:
    key = jax.random.key(seed)
    ks = jax.random.split(key, 6)
    return {
        "bags": jax.random.normal(ks[0], (B, N, F), dtype=jnp.float32),
        "W_enc": jax.random.normal(ks[1], (F, Z), dtype=jnp.float32) * (2.0 / (F + Z)) ** 0.5,
        "b_enc": jnp.zeros((Z,), jnp.float32),
        "W_att": jax.random.normal(ks[2], (Z, 1), dtype=jnp.float32) * (2.0 / (Z + 1)) ** 0.5,
        "b_att": jnp.zeros((1,), jnp.float32),
        "bn_gamma": jnp.ones((Z,), jnp.float32),
        "bn_beta": jnp.zeros((Z,), jnp.float32),
        "bn_mean": jnp.zeros((Z,), jnp.float32),
        "bn_var": jnp.ones((Z,), jnp.float32),
        "W_head": jax.random.normal(ks[3], (Z, NOUT), dtype=jnp.float32) * (2.0 / (Z + NOUT)) ** 0.5,
        "b_head": jnp.zeros((NOUT,), jnp.float32),
    }


def reference(bags, W_enc, b_enc, W_att, b_att, bn_gamma, bn_beta, bn_mean, bn_var, W_head, b_head):
    # encoder: Linear(n_feats, z_dim) + ReLU, applied per patch
    emb = jax.nn.relu(bags @ W_enc + b_enc)              # [B, N, Z]
    # attention: Linear(z_dim, 1) -> scores [B, N]
    scores = (emb @ W_att + b_att)[..., 0]               # [B, N]
    k = min(K, emb.shape[1])
    topk_scores, topk_idx = jax.lax.top_k(scores, k)     # [B, k]
    topk_emb = jnp.take_along_axis(emb, topk_idx[:, :, None], axis=1)  # [B, k, Z]
    w = jax.nn.softmax(topk_scores, axis=1)              # [B, k]
    weighted_sum = jnp.sum(topk_emb * w[:, :, None], axis=1)  # [B, Z]
    # head: BatchNorm1d (eval mode, running stats) + Dropout (identity in eval) + Linear
    bn = (weighted_sum - bn_mean) / jnp.sqrt(bn_var + 1e-5) * bn_gamma + bn_beta
    out = bn @ W_head + b_head                           # [B, NOUT]
    return out

if __name__ == "__main__":
    import jax
    _d = setup_inputs()
    print(jax.jit(kernel)(*tuple(_d.values())))

</pallas_src>

<mosaic_0001>
#map = affine_map<(d0, d1) -> (0, 0)>
#map1 = affine_map<(d0, d1) -> (0)>
module attributes {stable_mosaic.version = 14 : i64} {
  func.func @gather_kernel(%arg0: i32, %arg1: i32, %arg2: memref<524288x128xf32, #tpu.memory_space<hbm>>, %arg3: memref<2048xi32, #tpu.memory_space<hbm>>, %arg4: memref<2048x128xf32, #tpu.memory_space<hbm>>, %arg5: memref<64xi32, #tpu.memory_space<vmem>>, %arg6: memref<64x128xf32, #tpu.memory_space<vmem>>, %arg7: memref<!tpu.dma_semaphore, #tpu.memory_space<semaphore_mem>>) attributes {dimension_semantics = [#tpu.dimension_semantics<core_parallel>, #tpu.dimension_semantics<subcore_parallel>], iteration_bounds = array<i64: 2, 16>, scalar_prefetch = 0 : i64, scratch_operands = 3 : i64, tpu.core_type = #tpu.core_type<sc_vector_subcore>, window_params = [{transform_indices = #map}, {transform_indices = #map1}, {transform_indices = #map}]} {
    %mul3A = arith.constant 2 : i32
    %mul3A_0 = arith.muli %arg1, %mul3A : i32
    %add3A = arith.addi %mul3A_0, %arg0 : i32
    %mul3A_1 = arith.constant 64 : i32
    %mul3A_2 = arith.muli %add3A, %mul3A_1 : i32
    "tpu.region"() ({
      %run_scoped3A = tpu.sem_alloc : memref<!tpu.dma_semaphore, #tpu.memory_space<semaphore_mem>>
      %dma_start3A_7 = tpu.memref_slice %arg3[%mul3A_2] : memref<2048xi32, #tpu.memory_space<hbm>> -> memref<64xi32, #tpu.memory_space<hbm>>
      %dma_start3A_8 = tpu.memref_slice %arg3[%mul3A_2] : memref<2048xi32, #tpu.memory_space<hbm>> -> memref<64xi32, #tpu.memory_space<hbm>>
      tpu.enqueue_dma source(%dma_start3A_8 : memref<64xi32, #tpu.memory_space<hbm>>) target(%arg5 : memref<64xi32, #tpu.memory_space<vmem>>) target_semaphore(%run_scoped3A : memref<!tpu.dma_semaphore, #tpu.memory_space<semaphore_mem>>)
      %dma_wait3A_9 = tpu.memref_slice %arg3[%mul3A_2] : memref<2048xi32, #tpu.memory_space<hbm>> -> memref<64xi32, #tpu.memory_space<hbm>>
      %dma_wait3A_10 = tpu.memref_slice %arg3[%mul3A_2] : memref<2048xi32, #tpu.memory_space<hbm>> -> memref<64xi32, #tpu.memory_space<hbm>>
      tpu.wait_dma2 semaphore(%run_scoped3A : memref<!tpu.dma_semaphore, #tpu.memory_space<semaphore_mem>>) src(%dma_wait3A_10 : memref<64xi32, #tpu.memory_space<hbm>>) dst(%arg5 : memref<64xi32, #tpu.memory_space<vmem>>)
      tpu.yield
    }) : () -> ()
    %dma_start3A = arith.constant 0 : i32
    %dma_start3A_3 = arith.constant 0 : i32
    %dma_start3A_4 = tpu.memref_slice %arg2[%dma_start3A, %dma_start3A_3] : memref<524288x128xf32, #tpu.memory_space<hbm>> -> memref<524288x128xf32, #tpu.memory_space<hbm>>
    tpu.enqueue_indirect_dma source(%dma_start3A_4 : memref<524288x128xf32, #tpu.memory_space<hbm>>) target(%arg6 : memref<64x128xf32, #tpu.memory_space<vmem>>) offsets(%arg5 : memref<64xi32, #tpu.memory_space<vmem>>) semaphore(%arg7 : memref<!tpu.dma_semaphore, #tpu.memory_space<semaphore_mem>>)
    %dma_wait3A = arith.constant 0 : i32
    %dma_wait3A_5 = arith.constant 0 : i32
    %dma_wait3A_6 = tpu.memref_slice %arg2[%dma_wait3A, %dma_wait3A_5] : memref<524288x128xf32, #tpu.memory_space<hbm>> -> memref<524288x128xf32, #tpu.memory_space<hbm>>
    tpu.wait_indirect_dma semaphore(%arg7 : memref<!tpu.dma_semaphore, #tpu.memory_space<semaphore_mem>>) src(%dma_wait3A_6 : memref<524288x128xf32, #tpu.memory_space<hbm>>) dst(%arg6 : memref<64x128xf32, #tpu.memory_space<vmem>>)
    "tpu.region"() ({
      %run_scoped3A = tpu.sem_alloc : memref<!tpu.dma_semaphore, #tpu.memory_space<semaphore_mem>>
      %dma_start3A_7 = arith.constant 0 : i32
      %dma_start3A_8 = tpu.memref_slice %arg4[%mul3A_2, %dma_start3A_7] : memref<2048x128xf32, #tpu.memory_space<hbm>> -> memref<64x128xf32, #tpu.memory_space<hbm>>
      %dma_start3A_9 = arith.constant 0 : i32
      %dma_start3A_10 = tpu.memref_slice %arg4[%mul3A_2, %dma_start3A_9] : memref<2048x128xf32, #tpu.memory_space<hbm>> -> memref<64x128xf32, #tpu.memory_space<hbm>>
      tpu.enqueue_dma source(%arg6 : memref<64x128xf32, #tpu.memory_space<vmem>>) target(%dma_start3A_10 : memref<64x128xf32, #tpu.memory_space<hbm>>) target_semaphore(%run_scoped3A : memref<!tpu.dma_semaphore, #tpu.memory_space<semaphore_mem>>)
      %dma_wait3A_11 = arith.constant 0 : i32
      %dma_wait3A_12 = tpu.memref_slice %arg4[%mul3A_2, %dma_wait3A_11] : memref<2048x128xf32, #tpu.memory_space<hbm>> -> memref<64x128xf32, #tpu.memory_space<hbm>>
      %dma_wait3A_13 = arith.constant 0 : i32
      %dma_wait3A_14 = tpu.memref_slice %arg4[%mul3A_2, %dma_wait3A_13] : memref<2048x128xf32, #tpu.memory_space<hbm>> -> memref<64x128xf32, #tpu.memory_space<hbm>>
      tpu.wait_dma2 semaphore(%run_scoped3A : memref<!tpu.dma_semaphore, #tpu.memory_space<semaphore_mem>>) src(%arg6 : memref<64x128xf32, #tpu.memory_space<vmem>>) dst(%dma_wait3A_14 : memref<64x128xf32, #tpu.memory_space<hbm>>)
      tpu.yield
    }) : () -> ()
    return
  }
}

module attributes {stable_mosaic.version = 14 : i64} {
  func.func @_score_topk_kernel(%arg0: i32, %arg1: i32, %arg2: memref<8x4096x128xf32, #tpu.memory_space<vmem>>, %arg3: memref<128x64xf32, #tpu.memory_space<vmem>>, %arg4: memref<1x64xf32, #tpu.memory_space<vmem>>, %arg5: memref<64x128xf32, #tpu.memory_space<vmem>>, %arg6: memref<1x1xf32, #tpu.memory_space<vmem>>, %arg7: memref<64x128xi32, #tpu.memory_space<vmem>>, %arg8: memref<64x128xf32, #tpu.memory_space<vmem>>, %arg9: memref<2x64x4096xf32, #tpu.memory_space<vmem>>) attributes {dimension_semantics = [#tpu.dimension_semantics<arbitrary>, #tpu.dimension_semantics<arbitrary>], iteration_bounds = array<i64: 8, 2>, scalar_prefetch = 0 : i64, scratch_operands = 1 : i64, tpu.core_type = #tpu.core_type<tc>, window_params = [{transform_indices = @transform_0, window_bounds = array<i64: 8, 4096, 128>}, {pipeline_mode = #tpu.pipeline_mode<synchronous>, transform_indices = @transform_1, window_bounds = array<i64: 128, 64>}, {pipeline_mode = #tpu.pipeline_mode<synchronous>, transform_indices = @transform_2, window_bounds = array<i64: 1, 64>}, {pipeline_mode = #tpu.pipeline_mode<synchronous>, transform_indices = @transform_3, window_bounds = array<i64: 64, 128>}, {pipeline_mode = #tpu.pipeline_mode<synchronous>, transform_indices = @transform_4, window_bounds = array<i64: 1, 1>}, {pipeline_mode = #tpu.pipeline_mode<synchronous>, transform_indices = @transform_5, window_bounds = array<i64: 64, 128>}, {pipeline_mode = #tpu.pipeline_mode<synchronous>, transform_indices = @transform_6, window_bounds = array<i64: 64, 128>}]} {
    %get3A = arith.constant 0 : index
    %get3A_0 = arith.constant 0 : index
    %get3A_1 = arith.constant 0 : index
    %get3A_2 = vector.load %arg2[%get3A, %get3A_0, %get3A_1] : memref<8x4096x128xf32, #tpu.memory_space<vmem>>, vector<8x4096x128xf32>
    %reshape3A = vector.shape_cast %get3A_2 : vector<8x4096x128xf32> to vector<32768x128xf32>
    %get3A_3 = arith.constant 0 : index
    %get3A_4 = arith.constant 0 : index
    %get3A_5 = vector.load %arg3[%get3A_3, %get3A_4] : memref<128x64xf32, #tpu.memory_space<vmem>>, vector<128x64xf32>
    %dot_general3A = arith.constant dense<0.000000e+00> : vector<32768x64xf32>
    %dot_general3A_6 = tpu.matmul %reshape3A, %get3A_5, %dot_general3A {dimension_numbers = #tpu.dot_dimension_numbers<[1], [0], [0], [1], [0, 0, 1, 1], [], []>, transpose_lhs_hint = false} : vector<32768x128xf32>, vector<128x64xf32>, vector<32768x64xf32> -> vector<32768x64xf32>
    %get3A_7 = arith.constant 0 : index
    %get3A_8 = arith.constant 0 : index
    %get3A_9 = vector.load %arg4[%get3A_7, %get3A_8] : memref<1x64xf32, #tpu.memory_space<vmem>>, vector<1x64xf32>
    %add3A = vector.broadcast %get3A_9 : vector<1x64xf32> to vector<32768x64xf32>
    %add3A_10 = arith.addf %dot_general3A_6, %add3A : vector<32768x64xf32>
    %max3A = arith.constant 0.000000e+00 : f32
    %max3A_11 = vector.broadcast %max3A : f32 to vector<32768x64xf32>
    %max3A_12 = arith.maximumf %add3A_10, %max3A_11 : vector<32768x64xf32>
    %get3A_13 = arith.constant 0 : index
    %get3A_14 = arith.constant 0 : index
    %get3A_15 = vector.load %arg5[%get3A_13, %get3A_14] : memref<64x128xf32, #tpu.memory_space<vmem>>, vector<64x128xf32>
    %dot_general3A_16 = arith.constant dense<0.000000e+00> : vector<32768x128xf32>
    %dot_general3A_17 = tpu.matmul %max3A_12, %get3A_15, %dot_general3A_16 {dimension_numbers = #tpu.dot_dimension_numbers<[1], [0], [0], [1], [0, 0, 1, 1], [], []>, transpose_lhs_hint = false} : vector<32768x64xf32>, vector<64x128xf32>, vector<32768x128xf32> -> vector<32768x128xf32>
    %slice3A = vector.extract_strided_slice %dot_general3A_17 {offsets = [0, 0], sizes = [32768, 1], strides = [1, 1]} : vector<32768x128xf32> to vector<32768x1xf32>
    %squeeze3A = vector.shape_cast %slice3A : vector<32768x1xf32> to vector<32768xf32>
    %get3A_18 = arith.constant 0 : index
    %get3A_19 = arith.constant 0 : index
    %get3A_20 = vector.load %arg6[%get3A_18, %get3A_19] : memref<1x1xf32, #tpu.memory_space<vmem>>, vector<1x1xf32>
    %get3A_21 = vector.extract %get3A_20[0, 0] : f32 from vector<1x1xf32>
    %add3A_22 = vector.broadcast %get3A_21 : f32 to vector<32768xf32>
    %add3A_23 = arith.addf %squeeze3A, %add3A_22 : vector<32768xf32>
    %reshape3A_24 = vector.shape_cast %add3A_23 : vector<32768xf32> to vector<8x4096xf32>
    %mul3A = arith.constant 8 : i32
    %mul3A_25 = arith.muli %arg0, %mul3A : i32
    %swap3A = arith.index_cast %arg1 : i32 to index
    %swap3A_26 = arith.index_cast %mul3A_25 : i32 to index
    %swap3A_27 = arith.constant 0 : index
    %swap3A_28 = vector.load %arg9[%swap3A, %swap3A_26, %swap3A_27] : memref<2x64x4096xf32, #tpu.memory_space<vmem>>, vector<1x8x4096xf32>
    %swap3A_29 = vector.shape_cast %swap3A_28 : vector<1x8x4096xf32> to vector<8x4096xf32>
    %swap3A_30 = vector.shape_cast %reshape3A_24 : vector<8x4096xf32> to vector<1x8x4096xf32>
    tpu.vector_store %arg9[%swap3A, %swap3A_26, %swap3A_27], %swap3A_30 {strides = array<i32>} : memref<2x64x4096xf32, #tpu.memory_space<vmem>>, vector<1x8x4096xf32>,
    %eq3A = arith.constant 7 : i32
    %eq3A_31 = arith.cmpi eq, %arg0, %eq3A : i32
    %eq3A_32 = arith.constant 1 : i32
    %eq3A_33 = arith.cmpi eq, %arg1, %eq3A_32 : i32
    %and3A = arith.andi %eq3A_31, %eq3A_33 : i1
    %convert_element_type3A = arith.extui %and3A : i1 to i32
    %cond3A = arith.constant 0 : i32
    %cond3A_34 = arith.cmpi ne, %convert_element_type3A, %cond3A : i32
    scf.if %cond3A_34 {
      %get3A_35 = arith.constant 0 : index
      %get3A_36 = arith.constant 0 : index
      %get3A_37 = arith.constant 0 : index
      %get3A_38 = vector.load %arg9[%get3A_35, %get3A_36, %get3A_37] : memref<2x64x4096xf32, #tpu.memory_space<vmem>>, vector<1x64x4096xf32>
      %get3A_39 = vector.shape_cast %get3A_38 : vector<1x64x4096xf32> to vector<64x4096xf32>
      %get3A_40 = arith.constant 1 : index
      %get3A_41 = arith.constant 0 : index
      %get3A_42 = arith.constant 0 : index
      %get3A_43 = vector.load %arg9[%get3A_40, %get3A_41, %get3A_42] : memref<2x64x4096xf32, #tpu.memory_space<vmem>>, vector<1x64x4096xf32>
      %get3A_44 = vector.shape_cast %get3A_43 : vector<1x64x4096xf32> to vector<64x4096xf32>
      %concatenate3A = tpu.concatenate %get3A_39, %get3A_44 in 1 : vector<64x4096xf32>, vector<64x4096xf32> -> vector<64x8192xf32>
      %iota3A = tpu.iota {dimensions = array<i32: 1>} : vector<64x8192xi32>
      %iota3A_45 = tpu.iota {dimensions = array<i32: 1>} : vector<64x128xi32>
      %broadcast_in_dim3A = arith.constant -3.000000e+38 : f32
      %broadcast_in_dim3A_46 = vector.broadcast %broadcast_in_dim3A : f32 to vector<64x1xf32>
      %broadcast_in_dim3A_47 = arith.constant 0.000000e+00 : f32
      %broadcast_in_dim3A_48 = vector.broadcast %broadcast_in_dim3A_47 : f32 to vector<64x1xf32>
      %broadcast_in_dim3A_49 = arith.constant 0 : i32
      %broadcast_in_dim3A_50 = vector.broadcast %broadcast_in_dim3A_49 : i32 to vector<64x128xi32>
      %broadcast_in_dim3A_51 = arith.constant 0.000000e+00 : f32
      %broadcast_in_dim3A_52 = vector.broadcast %broadcast_in_dim3A_51 : f32 to vector<64x128xf32>
      %scan3A = arith.constant 0 : i32
      %scan3A_53 = arith.constant 20 : i32
      %scan3A_54 = arith.addi %scan3A, %scan3A_53 : i32
      %scan3A_55 = arith.constant 1 : i32
      %scan3A_56:5 = scf.for %scan3A_73 = %scan3A to %scan3A_54 step %scan3A_55 iter_args(%scan3A_74 = %concatenate3A, %scan3A_75 = %broadcast_in_dim3A_46, %scan3A_76 = %broadcast_in_dim3A_48, %scan3A_77 = %broadcast_in_dim3A_50, %scan3A_78 = %broadcast_in_dim3A_52) -> (vector<64x8192xf32>, vector<64x1xf32>, vector<64x1xf32>, vector<64x128xi32>, vector<64x128xf32>)  : i32 {
        %reduce_max3A = arith.constant dense<0xFF800000> : vector<64xf32>
        %reduce_max3A_79 = vector.multi_reduction <maximumf>, %scan3A_74, %reduce_max3A [1] : vector<64x8192xf32> to vector<64xf32>
        %broadcast_in_dim3A_80 = vector.shape_cast %reduce_max3A_79 : vector<64xf32> to vector<64x1xf32>
        %eq3A_81 = vector.broadcast %broadcast_in_dim3A_80 : vector<64x1xf32> to vector<64x8192xf32>
        %eq3A_82 = arith.cmpf oeq, %scan3A_74, %eq3A_81 : vector<64x8192xf32>
        %jit3A_83 = arith.constant 8192 : i32
        %broadcast_in_dim3A_84 = vector.broadcast %jit3A_83 : i32 to vector<64x8192xi32>
        %select_n3A_85 = arith.select %eq3A_82, %iota3A, %broadcast_in_dim3A_84 : vector<64x8192xi1>, vector<64x8192xi32>
        %reduce_min3A = arith.constant dense<2147483647> : vector<64xi32>
        %reduce_min3A_86 = vector.multi_reduction <minsi>, %select_n3A_85, %reduce_min3A [1] : vector<64x8192xi32> to vector<64xi32>
        %broadcast_in_dim3A_87 = vector.shape_cast %reduce_min3A_86 : vector<64xi32> to vector<64x1xi32>
        %eq3A_88 = vector.broadcast %broadcast_in_dim3A_87 : vector<64x1xi32> to vector<64x8192xi32>
        %eq3A_89 = arith.cmpi eq, %iota3A, %eq3A_88 : vector<64x8192xi32>
        %jit3A_90 = arith.constant -3.000000e+38 : f32
        %broadcast_in_dim3A_91 = vector.broadcast %jit3A_90 : f32 to vector<64x8192xf32>
        %select_n3A_92 = arith.select %eq3A_89, %broadcast_in_dim3A_91, %scan3A_74 : vector<64x8192xi1>, vector<64x8192xf32>
        %eq3A_93 = arith.constant 0 : i32
        %eq3A_94 = arith.cmpi eq, %scan3A_73, %eq3A_93 : i32
        %select_n3A_95 = arith.select %eq3A_94, %broadcast_in_dim3A_80, %scan3A_75 : vector<64x1xf32>
        %sub3A = arith.subf %broadcast_in_dim3A_80, %select_n3A_95 : vector<64x1xf32>
        %exp3A = math.exp %sub3A : vector<64x1xf32>
        %eq3A_96 = vector.broadcast %scan3A_73 : i32 to vector<64x128xi32>
        %eq3A_97 = arith.cmpi eq, %iota3A_45, %eq3A_96 : vector<64x128xi32>
        %broadcast_in_dim3A_98 = vector.shape_cast %broadcast_in_dim3A_87 : vector<64x1xi32> to vector<64x1xi32>
        %broadcast_in_dim3A_99 = vector.broadcast %broadcast_in_dim3A_98 : vector<64x1xi32> to vector<64x128xi32>
        %select_n3A_100 = arith.select %eq3A_97, %broadcast_in_dim3A_99, %scan3A_77 : vector<64x128xi1>, vector<64x128xi32>
        %broadcast_in_dim3A_101 = vector.shape_cast %exp3A : vector<64x1xf32> to vector<64x1xf32>
        %broadcast_in_dim3A_102 = vector.broadcast %broadcast_in_dim3A_101 : vector<64x1xf32> to vector<64x128xf32>
        %select_n3A_103 = arith.select %eq3A_97, %broadcast_in_dim3A_102, %scan3A_78 : vector<64x128xi1>, vector<64x128xf32>
        %add3A_104 = arith.addf %scan3A_76, %exp3A : vector<64x1xf32>
        scf.yield %select_n3A_92, %select_n3A_95, %add3A_104, %select_n3A_100, %select_n3A_103 : vector<64x8192xf32>, vector<64x1xf32>, vector<64x1xf32>, vector<64x128xi32>, vector<64x128xf32>
      }
      %scan3A_57 = arith.constant 20 : i32
      %iota3A_58 = tpu.iota {dimensions = array<i32: 0>} : vector<64x128xi32>
      %mul3A_59 = arith.constant 8192 : i32
      %mul3A_60 = vector.broadcast %mul3A_59 : i32 to vector<64x128xi32>
      %mul3A_61 = arith.muli %iota3A_58, %mul3A_60 : vector<64x128xi32>
      %add3A_62 = arith.addi %scan3A_56#3, %mul3A_61 : vector<64x128xi32>
      %swap3A_63 = arith.constant 0 : index
      %swap3A_64 = arith.constant 0 : index
      %swap3A_65 = vector.load %arg7[%swap3A_63, %swap3A_64] : memref<64x128xi32, #tpu.memory_space<vmem>>, vector<64x128xi32>
      tpu.vector_store %arg7[%swap3A_63, %swap3A_64], %add3A_62 {strides = array<i32>} : memref<64x128xi32, #tpu.memory_space<vmem>>, vector<64x128xi32>,
      %lt3A = arith.constant 20 : i32
      %lt3A_66 = vector.broadcast %lt3A : i32 to vector<64x128xi32>
      %lt3A_67 = arith.cmpi slt, %iota3A_45, %lt3A_66 : vector<64x128xi32>
      %div3A = vector.broadcast %scan3A_56#2 : vector<64x1xf32> to vector<64x128xf32>
      %div3A_68 = arith.divf %scan3A_56#4, %div3A : vector<64x128xf32>
      %jit3A = arith.constant 0.000000e+00 : f32
      %broadcast_in_dim3A_69 = vector.broadcast %jit3A : f32 to vector<64x128xf32>
      %select_n3A = arith.select %lt3A_67, %div3A_68, %broadcast_in_dim3A_69 : vector<64x128xi1>, vector<64x128xf32>
      %swap3A_70 = arith.constant 0 : index
      %swap3A_71 = arith.constant 0 : index
      %swap3A_72 = vector.load %arg8[%swap3A_70, %swap3A_71] : memref<64x128xf32, #tpu.memory_space<vmem>>, vector<64x128xf32>
      tpu.vector_store %arg8[%swap3A_70, %swap3A_71], %select_n3A {strides = array<i32>} : memref<64x128xf32, #tpu.memory_space<vmem>>, vector<64x128xf32>,
    } else {
    }
    return
  }
  func.func @transform_0(%arg0: i32, %arg1: i32) -> (i32, i32, i32) {
    %c0_i32 = arith.constant 0 : i32
    %c0_i32_0 = arith.constant 0 : i32
    return %arg0, %arg1, %c0_i32 : i32, i32, i32
  }
  func.func @transform_1(%arg0: i32, %arg1: i32) -> (i32, i32) {
    %c0_i32 = arith.constant 0 : i32
    %c0_i32_0 = arith.constant 0 : i32
    %c0_i32_1 = arith.constant 0 : i32
    return %c0_i32, %c0_i32_0 : i32, i32
  }
  func.func @transform_2(%arg0: i32, %arg1: i32) -> (i32, i32) {
    %c0_i32 = arith.constant 0 : i32
    %c0_i32_0 = arith.constant 0 : i32
    %c0_i32_1 = arith.constant 0 : i32
    return %c0_i32, %c0_i32_0 : i32, i32
  }
  func.func @transform_3(%arg0: i32, %arg1: i32) -> (i32, i32) {
    %c0_i32 = arith.constant 0 : i32
    %c0_i32_0 = arith.constant 0 : i32
    %c0_i32_1 = arith.constant 0 : i32
    return %c0_i32, %c0_i32_0 : i32, i32
  }
  func.func @transform_4(%arg0: i32, %arg1: i32) -> (i32, i32) {
    %c0_i32 = arith.constant 0 : i32
    %c0_i32_0 = arith.constant 0 : i32
    %c0_i32_1 = arith.constant 0 : i32
    return %c0_i32, %c0_i32_0 : i32, i32
  }
  func.func @transform_5(%arg0: i32, %arg1: i32) -> (i32, i32) {
    %c0_i32 = arith.constant 0 : i32
    %c0_i32_0 = arith.constant 0 : i32
    %c0_i32_1 = arith.constant 0 : i32
    return %c0_i32, %c0_i32_0 : i32, i32
  }
  func.func @transform_6(%arg0: i32, %arg1: i32) -> (i32, i32) {
    %c0_i32 = arith.constant 0 : i32
    %c0_i32_0 = arith.constant 0 : i32
    %c0_i32_1 = arith.constant 0 : i32
    return %c0_i32, %c0_i32_0 : i32, i32
  }
}

module attributes {stable_mosaic.version = 14 : i64} {
  func.func @_pool_head_kernel(%arg0: memref<2048x128xf32, #tpu.memory_space<vmem>>, %arg1: memref<64x128xf32, #tpu.memory_space<vmem>>, %arg2: memref<128x64xf32, #tpu.memory_space<vmem>>, %arg3: memref<1x64xf32, #tpu.memory_space<vmem>>, %arg4: memref<1x64xf32, #tpu.memory_space<vmem>>, %arg5: memref<1x64xf32, #tpu.memory_space<vmem>>, %arg6: memref<1x64xf32, #tpu.memory_space<vmem>>, %arg7: memref<1x64xf32, #tpu.memory_space<vmem>>, %arg8: memref<64x128xf32, #tpu.memory_space<vmem>>, %arg9: memref<1x128xf32, #tpu.memory_space<vmem>>, %arg10: memref<64x128xf32, #tpu.memory_space<vmem>>) attributes {dimension_semantics = [], scalar_prefetch = 0 : i64, scratch_operands = 0 : i64, tpu.core_type = #tpu.core_type<tc>} {
    %get3A = arith.constant 0 : index
    %get3A_0 = arith.constant 0 : index
    %get3A_1 = vector.load %arg0[%get3A, %get3A_0] : memref<2048x128xf32, #tpu.memory_space<vmem>>, vector<2048x128xf32>
    %get3A_2 = arith.constant 0 : index
    %get3A_3 = arith.constant 0 : index
    %get3A_4 = vector.load %arg2[%get3A_2, %get3A_3] : memref<128x64xf32, #tpu.memory_space<vmem>>, vector<128x64xf32>
    %dot_general3A = arith.constant dense<0.000000e+00> : vector<2048x64xf32>
    %dot_general3A_5 = tpu.matmul %get3A_1, %get3A_4, %dot_general3A {dimension_numbers = #tpu.dot_dimension_numbers<[1], [0], [0], [1], [0, 0, 1, 1], [], []>, transpose_lhs_hint = false} : vector<2048x128xf32>, vector<128x64xf32>, vector<2048x64xf32> -> vector<2048x64xf32>
    %get3A_6 = arith.constant 0 : index
    %get3A_7 = arith.constant 0 : index
    %get3A_8 = vector.load %arg3[%get3A_6, %get3A_7] : memref<1x64xf32, #tpu.memory_space<vmem>>, vector<1x64xf32>
    %add3A = vector.broadcast %get3A_8 : vector<1x64xf32> to vector<2048x64xf32>
    %add3A_9 = arith.addf %dot_general3A_5, %add3A : vector<2048x64xf32>
    %max3A = arith.constant 0.000000e+00 : f32
    %max3A_10 = vector.broadcast %max3A : f32 to vector<2048x64xf32>
    %max3A_11 = arith.maximumf %add3A_9, %max3A_10 : vector<2048x64xf32>
    %reshape3A = vector.shape_cast %max3A_11 : vector<2048x64xf32> to vector<64x32x64xf32>
    %get3A_12 = arith.constant 0 : index
    %get3A_13 = arith.constant 0 : index
    %get3A_14 = vector.load %arg1[%get3A_12, %get3A_13] : memref<64x128xf32, #tpu.memory_space<vmem>>, vector<64x128xf32>
    %broadcast_in_dim3A = arith.constant 0.000000e+00 : f32
    %broadcast_in_dim3A_15 = vector.broadcast %broadcast_in_dim3A : f32 to vector<64x64xf32>
    %slice3A = vector.extract_strided_slice %get3A_14 {offsets = [0, 0], sizes = [64, 1], strides = [1, 1]} : vector<64x128xf32> to vector<64x1xf32>
    %slice3A_16 = vector.extract_strided_slice %reshape3A {offsets = [0, 0, 0], sizes = [64, 1, 64], strides = [1, 1, 1]} : vector<64x32x64xf32> to vector<64x1x64xf32>
    %squeeze3A = vector.shape_cast %slice3A_16 : vector<64x1x64xf32> to vector<64x64xf32>
    %mul3A = vector.broadcast %slice3A : vector<64x1xf32> to vector<64x64xf32>
    %mul3A_17 = arith.mulf %mul3A, %squeeze3A : vector<64x64xf32>
    %add3A_18 = arith.addf %broadcast_in_dim3A_15, %mul3A_17 : vector<64x64xf32>
    %slice3A_19 = vector.extract_strided_slice %get3A_14 {offsets = [0, 1], sizes = [64, 1], strides = [1, 1]} : vector<64x128xf32> to vector<64x1xf32>
    %slice3A_20 = vector.extract_strided_slice %reshape3A {offsets = [0, 1, 0], sizes = [64, 1, 64], strides = [1, 1, 1]} : vector<64x32x64xf32> to vector<64x1x64xf32>
    %squeeze3A_21 = vector.shape_cast %slice3A_20 : vector<64x1x64xf32> to vector<64x64xf32>
    %mul3A_22 = vector.broadcast %slice3A_19 : vector<64x1xf32> to vector<64x64xf32>
    %mul3A_23 = arith.mulf %mul3A_22, %squeeze3A_21 : vector<64x64xf32>
    %add3A_24 = arith.addf %add3A_18, %mul3A_23 : vector<64x64xf32>
    %slice3A_25 = vector.extract_strided_slice %get3A_14 {offsets = [0, 2], sizes = [64, 1], strides = [1, 1]} : vector<64x128xf32> to vector<64x1xf32>
    %slice3A_26 = vector.extract_strided_slice %reshape3A {offsets = [0, 2, 0], sizes = [64, 1, 64], strides = [1, 1, 1]} : vector<64x32x64xf32> to vector<64x1x64xf32>
    %squeeze3A_27 = vector.shape_cast %slice3A_26 : vector<64x1x64xf32> to vector<64x64xf32>
    %mul3A_28 = vector.broadcast %slice3A_25 : vector<64x1xf32> to vector<64x64xf32>
    %mul3A_29 = arith.mulf %mul3A_28, %squeeze3A_27 : vector<64x64xf32>
    %add3A_30 = arith.addf %add3A_24, %mul3A_29 : vector<64x64xf32>
    %slice3A_31 = vector.extract_strided_slice %get3A_14 {offsets = [0, 3], sizes = [64, 1], strides = [1, 1]} : vector<64x128xf32> to vector<64x1xf32>
    %slice3A_32 = vector.extract_strided_slice %reshape3A {offsets = [0, 3, 0], sizes = [64, 1, 64], strides = [1, 1, 1]} : vector<64x32x64xf32> to vector<64x1x64xf32>
    %squeeze3A_33 = vector.shape_cast %slice3A_32 : vector<64x1x64xf32> to vector<64x64xf32>
    %mul3A_34 = vector.broadcast %slice3A_31 : vector<64x1xf32> to vector<64x64xf32>
    %mul3A_35 = arith.mulf %mul3A_34, %squeeze3A_33 : vector<64x64xf32>
    %add3A_36 = arith.addf %add3A_30, %mul3A_35 : vector<64x64xf32>
    %slice3A_37 = vector.extract_strided_slice %get3A_14 {offsets = [0, 4], sizes = [64, 1], strides = [1, 1]} : vector<64x128xf32> to vector<64x1xf32>
    %slice3A_38 = vector.extract_strided_slice %reshape3A {offsets = [0, 4, 0], sizes = [64, 1, 64], strides = [1, 1, 1]} : vector<64x32x64xf32> to vector<64x1x64xf32>
    %squeeze3A_39 = vector.shape_cast %slice3A_38 : vector<64x1x64xf32> to vector<64x64xf32>
    %mul3A_40 = vector.broadcast %slice3A_37 : vector<64x1xf32> to vector<64x64xf32>
    %mul3A_41 = arith.mulf %mul3A_40, %squeeze3A_39 : vector<64x64xf32>
    %add3A_42 = arith.addf %add3A_36, %mul3A_41 : vector<64x64xf32>
    %slice3A_43 = vector.extract_strided_slice %get3A_14 {offsets = [0, 5], sizes = [64, 1], strides = [1, 1]} : vector<64x128xf32> to vector<64x1xf32>
    %slice3A_44 = vector.extract_strided_slice %reshape3A {offsets = [0, 5, 0], sizes = [64, 1, 64], strides = [1, 1, 1]} : vector<64x32x64xf32> to vector<64x1x64xf32>
    %squeeze3A_45 = vector.shape_cast %slice3A_44 : vector<64x1x64xf32> to vector<64x64xf32>
    %mul3A_46 = vector.broadcast %slice3A_43 : vector<64x1xf32> to vector<64x64xf32>
    %mul3A_47 = arith.mulf %mul3A_46, %squeeze3A_45 : vector<64x64xf32>
    %add3A_48 = arith.addf %add3A_42, %mul3A_47 : vector<64x64xf32>
    %slice3A_49 = vector.extract_strided_slice %get3A_14 {offsets = [0, 6], sizes = [64, 1], strides = [1, 1]} : vector<64x128xf32> to vector<64x1xf32>
    %slice3A_50 = vector.extract_strided_slice %reshape3A {offsets = [0, 6, 0], sizes = [64, 1, 64], strides = [1, 1, 1]} : vector<64x32x64xf32> to vector<64x1x64xf32>
    %squeeze3A_51 = vector.shape_cast %slice3A_50 : vector<64x1x64xf32> to vector<64x64xf32>
    %mul3A_52 = vector.broadcast %slice3A_49 : vector<64x1xf32> to vector<64x64xf32>
    %mul3A_53 = arith.mulf %mul3A_52, %squeeze3A_51 : vector<64x64xf32>
    %add3A_54 = arith.addf %add3A_48, %mul3A_53 : vector<64x64xf32>
    %slice3A_55 = vector.extract_strided_slice %get3A_14 {offsets = [0, 7], sizes = [64, 1], strides = [1, 1]} : vector<64x128xf32> to vector<64x1xf32>
    %slice3A_56 = vector.extract_strided_slice %reshape3A {offsets = [0, 7, 0], sizes = [64, 1, 64], strides = [1, 1, 1]} : vector<64x32x64xf32> to vector<64x1x64xf32>
    %squeeze3A_57 = vector.shape_cast %slice3A_56 : vector<64x1x64xf32> to vector<64x64xf32>
    %mul3A_58 = vector.broadcast %slice3A_55 : vector<64x1xf32> to vector<64x64xf32>
    %mul3A_59 = arith.mulf %mul3A_58, %squeeze3A_57 : vector<64x64xf32>
    %add3A_60 = arith.addf %add3A_54, %mul3A_59 : vector<64x64xf32>
    %slice3A_61 = vector.extract_strided_slice %get3A_14 {offsets = [0, 8], sizes = [64, 1], strides = [1, 1]} : vector<64x128xf32> to vector<64x1xf32>
    %slice3A_62 = vector.extract_strided_slice %reshape3A {offsets = [0, 8, 0], sizes = [64, 1, 64], strides = [1, 1, 1]} : vector<64x32x64xf32> to vector<64x1x64xf32>
    %squeeze3A_63 = vector.shape_cast %slice3A_62 : vector<64x1x64xf32> to vector<64x64xf32>
    %mul3A_64 = vector.broadcast %slice3A_61 : vector<64x1xf32> to vector<64x64xf32>
    %mul3A_65 = arith.mulf %mul3A_64, %squeeze3A_63 : vector<64x64xf32>
    %add3A_66 = arith.addf %add3A_60, %mul3A_65 : vector<64x64xf32>
    %slice3A_67 = vector.extract_strided_slice %get3A_14 {offsets = [0, 9], sizes = [64, 1], strides = [1, 1]} : vector<64x128xf32> to vector<64x1xf32>
    %slice3A_68 = vector.extract_strided_slice %reshape3A {offsets = [0, 9, 0], sizes = [64, 1, 64], strides = [1, 1, 1]} : vector<64x32x64xf32> to vector<64x1x64xf32>
    %squeeze3A_69 = vector.shape_cast %slice3A_68 : vector<64x1x64xf32> to vector<64x64xf32>
    %mul3A_70 = vector.broadcast %slice3A_67 : vector<64x1xf32> to vector<64x64xf32>
    %mul3A_71 = arith.mulf %mul3A_70, %squeeze3A_69 : vector<64x64xf32>
    %add3A_72 = arith.addf %add3A_66, %mul3A_71 : vector<64x64xf32>
    %slice3A_73 = vector.extract_strided_slice %get3A_14 {offsets = [0, 10], sizes = [64, 1], strides = [1, 1]} : vector<64x128xf32> to vector<64x1xf32>
    %slice3A_74 = vector.extract_strided_slice %reshape3A {offsets = [0, 10, 0], sizes = [64, 1, 64], strides = [1, 1, 1]} : vector<64x32x64xf32> to vector<64x1x64xf32>
    %squeeze3A_75 = vector.shape_cast %slice3A_74 : vector<64x1x64xf32> to vector<64x64xf32>
    %mul3A_76 = vector.broadcast %slice3A_73 : vector<64x1xf32> to vector<64x64xf32>
    %mul3A_77 = arith.mulf %mul3A_76, %squeeze3A_75 : vector<64x64xf32>
    %add3A_78 = arith.addf %add3A_72, %mul3A_77 : vector<64x64xf32>
    %slice3A_79 = vector.extract_strided_slice %get3A_14 {offsets = [0, 11], sizes = [64, 1], strides = [1, 1]} : vector<64x128xf32> to vector<64x1xf32>
    %slice3A_80 = vector.extract_strided_slice %reshape3A {offsets = [0, 11, 0], sizes = [64, 1, 64], strides = [1, 1, 1]} : vector<64x32x64xf32> to vector<64x1x64xf32>
    %squeeze3A_81 = vector.shape_cast %slice3A_80 : vector<64x1x64xf32> to vector<64x64xf32>
    %mul3A_82 = vector.broadcast %slice3A_79 : vector<64x1xf32> to vector<64x64xf32>
    %mul3A_83 = arith.mulf %mul3A_82, %squeeze3A_81 : vector<64x64xf32>
    %add3A_84 = arith.addf %add3A_78, %mul3A_83 : vector<64x64xf32>
    %slice3A_85 = vector.extract_strided_slice %get3A_14 {offsets = [0, 12], sizes = [64, 1], strides = [1, 1]} : vector<64x128xf32> to vector<64x1xf32>
    %slice3A_86 = vector.extract_strided_slice %reshape3A {offsets = [0, 12, 0], sizes = [64, 1, 64], strides = [1, 1, 1]} : vector<64x32x64xf32> to vector<64x1x64xf32>
    %squeeze3A_87 = vector.shape_cast %slice3A_86 : vector<64x1x64xf32> to vector<64x64xf32>
    %mul3A_88 = vector.broadcast %slice3A_85 : vector<64x1xf32> to vector<64x64xf32>
    %mul3A_89 = arith.mulf %mul3A_88, %squeeze3A_87 : vector<64x64xf32>
    %add3A_90 = arith.addf %add3A_84, %mul3A_89 : vector<64x64xf32>
    %slice3A_91 = vector.extract_strided_slice %get3A_14 {offsets = [0, 13], sizes = [64, 1], strides = [1, 1]} : vector<64x128xf32> to vector<64x1xf32>
    %slice3A_92 = vector.extract_strided_slice %reshape3A {offsets = [0, 13, 0], sizes = [64, 1, 64], strides = [1, 1, 1]} : vector<64x32x64xf32> to vector<64x1x64xf32>
    %squeeze3A_93 = vector.shape_cast %slice3A_92 : vector<64x1x64xf32> to vector<64x64xf32>
    %mul3A_94 = vector.broadcast %slice3A_91 : vector<64x1xf32> to vector<64x64xf32>
    %mul3A_95 = arith.mulf %mul3A_94, %squeeze3A_93 : vector<64x64xf32>
    %add3A_96 = arith.addf %add3A_90, %mul3A_95 : vector<64x64xf32>
    %slice3A_97 = vector.extract_strided_slice %get3A_14 {offsets = [0, 14], sizes = [64, 1], strides = [1, 1]} : vector<64x128xf32> to vector<64x1xf32>
    %slice3A_98 = vector.extract_strided_slice %reshape3A {offsets = [0, 14, 0], sizes = [64, 1, 64], strides = [1, 1, 1]} : vector<64x32x64xf32> to vector<64x1x64xf32>
    %squeeze3A_99 = vector.shape_cast %slice3A_98 : vector<64x1x64xf32> to vector<64x64xf32>
    %mul3A_100 = vector.broadcast %slice3A_97 : vector<64x1xf32> to vector<64x64xf32>
    %mul3A_101 = arith.mulf %mul3A_100, %squeeze3A_99 : vector<64x64xf32>
    %add3A_102 = arith.addf %add3A_96, %mul3A_101 : vector<64x64xf32>
    %slice3A_103 = vector.extract_strided_slice %get3A_14 {offsets = [0, 15], sizes = [64, 1], strides = [1, 1]} : vector<64x128xf32> to vector<64x1xf32>
    %slice3A_104 = vector.extract_strided_slice %reshape3A {offsets = [0, 15, 0], sizes = [64, 1, 64], strides = [1, 1, 1]} : vector<64x32x64xf32> to vector<64x1x64xf32>
    %squeeze3A_105 = vector.shape_cast %slice3A_104 : vector<64x1x64xf32> to vector<64x64xf32>
    %mul3A_106 = vector.broadcast %slice3A_103 : vector<64x1xf32> to vector<64x64xf32>
    %mul3A_107 = arith.mulf %mul3A_106, %squeeze3A_105 : vector<64x64xf32>
    %add3A_108 = arith.addf %add3A_102, %mul3A_107 : vector<64x64xf32>
    %slice3A_109 = vector.extract_strided_slice %get3A_14 {offsets = [0, 16], sizes = [64, 1], strides = [1, 1]} : vector<64x128xf32> to vector<64x1xf32>
    %slice3A_110 = vector.extract_strided_slice %reshape3A {offsets = [0, 16, 0], sizes = [64, 1, 64], strides = [1, 1, 1]} : vector<64x32x64xf32> to vector<64x1x64xf32>
    %squeeze3A_111 = vector.shape_cast %slice3A_110 : vector<64x1x64xf32> to vector<64x64xf32>
    %mul3A_112 = vector.broadcast %slice3A_109 : vector<64x1xf32> to vector<64x64xf32>
    %mul3A_113 = arith.mulf %mul3A_112, %squeeze3A_111 : vector<64x64xf32>
    %add3A_114 = arith.addf %add3A_108, %mul3A_113 : vector<64x64xf32>
    %slice3A_115 = vector.extract_strided_slice %get3A_14 {offsets = [0, 17], sizes = [64, 1], strides = [1, 1]} : vector<64x128xf32> to vector<64x1xf32>
    %slice3A_116 = vector.extract_strided_slice %reshape3A {offsets = [0, 17, 0], sizes = [64, 1, 64], strides = [1, 1, 1]} : vector<64x32x64xf32> to vector<64x1x64xf32>
    %squeeze3A_117 = vector.shape_cast %slice3A_116 : vector<64x1x64xf32> to vector<64x64xf32>
    %mul3A_118 = vector.broadcast %slice3A_115 : vector<64x1xf32> to vector<64x64xf32>
    %mul3A_119 = arith.mulf %mul3A_118, %squeeze3A_117 : vector<64x64xf32>
    %add3A_120 = arith.addf %add3A_114, %mul3A_119 : vector<64x64xf32>
    %slice3A_121 = vector.extract_strided_slice %get3A_14 {offsets = [0, 18], sizes = [64, 1], strides = [1, 1]} : vector<64x128xf32> to vector<64x1xf32>
    %slice3A_122 = vector.extract_strided_slice %reshape3A {offsets = [0, 18, 0], sizes = [64, 1, 64], strides = [1, 1, 1]} : vector<64x32x64xf32> to vector<64x1x64xf32>
    %squeeze3A_123 = vector.shape_cast %slice3A_122 : vector<64x1x64xf32> to vector<64x64xf32>
    %mul3A_124 = vector.broadcast %slice3A_121 : vector<64x1xf32> to vector<64x64xf32>
    %mul3A_125 = arith.mulf %mul3A_124, %squeeze3A_123 : vector<64x64xf32>
    %add3A_126 = arith.addf %add3A_120, %mul3A_125 : vector<64x64xf32>
    %slice3A_127 = vector.extract_strided_slice %get3A_14 {offsets = [0, 19], sizes = [64, 1], strides = [1, 1]} : vector<64x128xf32> to vector<64x1xf32>
    %slice3A_128 = vector.extract_strided_slice %reshape3A {offsets = [0, 19, 0], sizes = [64, 1, 64], strides = [1, 1, 1]} : vector<64x32x64xf32> to vector<64x1x64xf32>
    %squeeze3A_129 = vector.shape_cast %slice3A_128 : vector<64x1x64xf32> to vector<64x64xf32>
    %mul3A_130 = vector.broadcast %slice3A_127 : vector<64x1xf32> to vector<64x64xf32>
    %mul3A_131 = arith.mulf %mul3A_130, %squeeze3A_129 : vector<64x64xf32>
    %add3A_132 = arith.addf %add3A_126, %mul3A_131 : vector<64x64xf32>
    %slice3A_133 = vector.extract_strided_slice %get3A_14 {offsets = [0, 20], sizes = [64, 1], strides = [1, 1]} : vector<64x128xf32> to vector<64x1xf32>
    %slice3A_134 = vector.extract_strided_slice %reshape3A {offsets = [0, 20, 0], sizes = [64, 1, 64], strides = [1, 1, 1]} : vector<64x32x64xf32> to vector<64x1x64xf32>
    %squeeze3A_135 = vector.shape_cast %slice3A_134 : vector<64x1x64xf32> to vector<64x64xf32>
    %mul3A_136 = vector.broadcast %slice3A_133 : vector<64x1xf32> to vector<64x64xf32>
    %mul3A_137 = arith.mulf %mul3A_136, %squeeze3A_135 : vector<64x64xf32>
    %add3A_138 = arith.addf %add3A_132, %mul3A_137 : vector<64x64xf32>
    %slice3A_139 = vector.extract_strided_slice %get3A_14 {offsets = [0, 21], sizes = [64, 1], strides = [1, 1]} : vector<64x128xf32> to vector<64x1xf32>
    %slice3A_140 = vector.extract_strided_slice %reshape3A {offsets = [0, 21, 0], sizes = [64, 1, 64], strides = [1, 1, 1]} : vector<64x32x64xf32> to vector<64x1x64xf32>
    %squeeze3A_141 = vector.shape_cast %slice3A_140 : vector<64x1x64xf32> to vector<64x64xf32>
    %mul3A_142 = vector.broadcast %slice3A_139 : vector<64x1xf32> to vector<64x64xf32>
    %mul3A_143 = arith.mulf %mul3A_142, %squeeze3A_141 : vector<64x64xf32>
    %add3A_144 = arith.addf %add3A_138, %mul3A_143 : vector<64x64xf32>
    %slice3A_145 = vector.extract_strided_slice %get3A_14 {offsets = [0, 22], sizes = [64, 1], strides = [1, 1]} : vector<64x128xf32> to vector<64x1xf32>
    %slice3A_146 = vector.extract_strided_slice %reshape3A {offsets = [0, 22, 0], sizes = [64, 1, 64], strides = [1, 1, 1]} : vector<64x32x64xf32> to vector<64x1x64xf32>
    %squeeze3A_147 = vector.shape_cast %slice3A_146 : vector<64x1x64xf32> to vector<64x64xf32>
    %mul3A_148 = vector.broadcast %slice3A_145 : vector<64x1xf32> to vector<64x64xf32>
    %mul3A_149 = arith.mulf %mul3A_148, %squeeze3A_147 : vector<64x64xf32>
    %add3A_150 = arith.addf %add3A_144, %mul3A_149 : vector<64x64xf32>
    %slice3A_151 = vector.extract_strided_slice %get3A_14 {offsets = [0, 23], sizes = [64, 1], strides = [1, 1]} : vector<64x128xf32> to vector<64x1xf32>
    %slice3A_152 = vector.extract_strided_slice %reshape3A {offsets = [0, 23, 0], sizes = [64, 1, 64], strides = [1, 1, 1]} : vector<64x32x64xf32> to vector<64x1x64xf32>
    %squeeze3A_153 = vector.shape_cast %slice3A_152 : vector<64x1x64xf32> to vector<64x64xf32>
    %mul3A_154 = vector.broadcast %slice3A_151 : vector<64x1xf32> to vector<64x64xf32>
    %mul3A_155 = arith.mulf %mul3A_154, %squeeze3A_153 : vector<64x64xf32>
    %add3A_156 = arith.addf %add3A_150, %mul3A_155 : vector<64x64xf32>
    %slice3A_157 = vector.extract_strided_slice %get3A_14 {offsets = [0, 24], sizes = [64, 1], strides = [1, 1]} : vector<64x128xf32> to vector<64x1xf32>
    %slice3A_158 = vector.extract_strided_slice %reshape3A {offsets = [0, 24, 0], sizes = [64, 1, 64], strides = [1, 1, 1]} : vector<64x32x64xf32> to vector<64x1x64xf32>
    %squeeze3A_159 = vector.shape_cast %slice3A_158 : vector<64x1x64xf32> to vector<64x64xf32>
    %mul3A_160 = vector.broadcast %slice3A_157 : vector<64x1xf32> to vector<64x64xf32>
    %mul3A_161 = arith.mulf %mul3A_160, %squeeze3A_159 : vector<64x64xf32>
    %add3A_162 = arith.addf %add3A_156, %mul3A_161 : vector<64x64xf32>
    %slice3A_163 = vector.extract_strided_slice %get3A_14 {offsets = [0, 25], sizes = [64, 1], strides = [1, 1]} : vector<64x128xf32> to vector<64x1xf32>
    %slice3A_164 = vector.extract_strided_slice %reshape3A {offsets = [0, 25, 0], sizes = [64, 1, 64], strides = [1, 1, 1]} : vector<64x32x64xf32> to vector<64x1x64xf32>
    %squeeze3A_165 = vector.shape_cast %slice3A_164 : vector<64x1x64xf32> to vector<64x64xf32>
    %mul3A_166 = vector.broadcast %slice3A_163 : vector<64x1xf32> to vector<64x64xf32>
    %mul3A_167 = arith.mulf %mul3A_166, %squeeze3A_165 : vector<64x64xf32>
    %add3A_168 = arith.addf %add3A_162, %mul3A_167 : vector<64x64xf32>
    %slice3A_169 = vector.extract_strided_slice %get3A_14 {offsets = [0, 26], sizes = [64, 1], strides = [1, 1]} : vector<64x128xf32> to vector<64x1xf32>
    %slice3A_170 = vector.extract_strided_slice %reshape3A {offsets = [0, 26, 0], sizes = [64, 1, 64], strides = [1, 1, 1]} : vector<64x32x64xf32> to vector<64x1x64xf32>
    %squeeze3A_171 = vector.shape_cast %slice3A_170 : vector<64x1x64xf32> to vector<64x64xf32>
    %mul3A_172 = vector.broadcast %slice3A_169 : vector<64x1xf32> to vector<64x64xf32>
    %mul3A_173 = arith.mulf %mul3A_172, %squeeze3A_171 : vector<64x64xf32>
    %add3A_174 = arith.addf %add3A_168, %mul3A_173 : vector<64x64xf32>
    %slice3A_175 = vector.extract_strided_slice %get3A_14 {offsets = [0, 27], sizes = [64, 1], strides = [1, 1]} : vector<64x128xf32> to vector<64x1xf32>
    %slice3A_176 = vector.extract_strided_slice %reshape3A {offsets = [0, 27, 0], sizes = [64, 1, 64], strides = [1, 1, 1]} : vector<64x32x64xf32> to vector<64x1x64xf32>
    %squeeze3A_177 = vector.shape_cast %slice3A_176 : vector<64x1x64xf32> to vector<64x64xf32>
    %mul3A_178 = vector.broadcast %slice3A_175 : vector<64x1xf32> to vector<64x64xf32>
    %mul3A_179 = arith.mulf %mul3A_178, %squeeze3A_177 : vector<64x64xf32>
    %add3A_180 = arith.addf %add3A_174, %mul3A_179 : vector<64x64xf32>
    %slice3A_181 = vector.extract_strided_slice %get3A_14 {offsets = [0, 28], sizes = [64, 1], strides = [1, 1]} : vector<64x128xf32> to vector<64x1xf32>
    %slice3A_182 = vector.extract_strided_slice %reshape3A {offsets = [0, 28, 0], sizes = [64, 1, 64], strides = [1, 1, 1]} : vector<64x32x64xf32> to vector<64x1x64xf32>
    %squeeze3A_183 = vector.shape_cast %slice3A_182 : vector<64x1x64xf32> to vector<64x64xf32>
    %mul3A_184 = vector.broadcast %slice3A_181 : vector<64x1xf32> to vector<64x64xf32>
    %mul3A_185 = arith.mulf %mul3A_184, %squeeze3A_183 : vector<64x64xf32>
    %add3A_186 = arith.addf %add3A_180, %mul3A_185 : vector<64x64xf32>
    %slice3A_187 = vector.extract_strided_slice %get3A_14 {offsets = [0, 29], sizes = [64, 1], strides = [1, 1]} : vector<64x128xf32> to vector<64x1xf32>
    %slice3A_188 = vector.extract_strided_slice %reshape3A {offsets = [0, 29, 0], sizes = [64, 1, 64], strides = [1, 1, 1]} : vector<64x32x64xf32> to vector<64x1x64xf32>
    %squeeze3A_189 = vector.shape_cast %slice3A_188 : vector<64x1x64xf32> to vector<64x64xf32>
    %mul3A_190 = vector.broadcast %slice3A_187 : vector<64x1xf32> to vector<64x64xf32>
    %mul3A_191 = arith.mulf %mul3A_190, %squeeze3A_189 : vector<64x64xf32>
    %add3A_192 = arith.addf %add3A_186, %mul3A_191 : vector<64x64xf32>
    %slice3A_193 = vector.extract_strided_slice %get3A_14 {offsets = [0, 30], sizes = [64, 1], strides = [1, 1]} : vector<64x128xf32> to vector<64x1xf32>
    %slice3A_194 = vector.extract_strided_slice %reshape3A {offsets = [0, 30, 0], sizes = [64, 1, 64], strides = [1, 1, 1]} : vector<64x32x64xf32> to vector<64x1x64xf32>
    %squeeze3A_195 = vector.shape_cast %slice3A_194 : vector<64x1x64xf32> to vector<64x64xf32>
    %mul3A_196 = vector.broadcast %slice3A_193 : vector<64x1xf32> to vector<64x64xf32>
    %mul3A_197 = arith.mulf %mul3A_196, %squeeze3A_195 : vector<64x64xf32>
    %add3A_198 = arith.addf %add3A_192, %mul3A_197 : vector<64x64xf32>
    %slice3A_199 = vector.extract_strided_slice %get3A_14 {offsets = [0, 31], sizes = [64, 1], strides = [1, 1]} : vector<64x128xf32> to vector<64x1xf32>
    %slice3A_200 = vector.extract_strided_slice %reshape3A {offsets = [0, 31, 0], sizes = [64, 1, 64], strides = [1, 1, 1]} : vector<64x32x64xf32> to vector<64x1x64xf32>
    %squeeze3A_201 = vector.shape_cast %slice3A_200 : vector<64x1x64xf32> to vector<64x64xf32>
    %mul3A_202 = vector.broadcast %slice3A_199 : vector<64x1xf32> to vector<64x64xf32>
    %mul3A_203 = arith.mulf %mul3A_202, %squeeze3A_201 : vector<64x64xf32>
    %add3A_204 = arith.addf %add3A_198, %mul3A_203 : vector<64x64xf32>
    %get3A_205 = arith.constant 0 : index
    %get3A_206 = arith.constant 0 : index
    %get3A_207 = vector.load %arg6[%get3A_205, %get3A_206] : memref<1x64xf32, #tpu.memory_space<vmem>>, vector<1x64xf32>
    %sub3A = vector.broadcast %get3A_207 : vector<1x64xf32> to vector<64x64xf32>
    %sub3A_208 = arith.subf %add3A_204, %sub3A : vector<64x64xf32>
    %get3A_209 = arith.constant 0 : index
    %get3A_210 = arith.constant 0 : index
    %get3A_211 = vector.load %arg7[%get3A_209, %get3A_210] : memref<1x64xf32, #tpu.memory_space<vmem>>, vector<1x64xf32>
    %add3A_212 = arith.constant 9.99999974E-6 : f32
    %add3A_213 = vector.broadcast %add3A_212 : f32 to vector<1x64xf32>
    %add3A_214 = arith.addf %get3A_211, %add3A_213 : vector<1x64xf32>
    %rsqrt3A = math.rsqrt %add3A_214 : vector<1x64xf32>
    %mul3A_215 = vector.broadcast %rsqrt3A : vector<1x64xf32> to vector<64x64xf32>
    %mul3A_216 = arith.mulf %sub3A_208, %mul3A_215 : vector<64x64xf32>
    %get3A_217 = arith.constant 0 : index
    %get3A_218 = arith.constant 0 : index
    %get3A_219 = vector.load %arg4[%get3A_217, %get3A_218] : memref<1x64xf32, #tpu.memory_space<vmem>>, vector<1x64xf32>
    %mul3A_220 = vector.broadcast %get3A_219 : vector<1x64xf32> to vector<64x64xf32>
    %mul3A_221 = arith.mulf %mul3A_216, %mul3A_220 : vector<64x64xf32>
    %get3A_222 = arith.constant 0 : index
    %get3A_223 = arith.constant 0 : index
    %get3A_224 = vector.load %arg5[%get3A_222, %get3A_223] : memref<1x64xf32, #tpu.memory_space<vmem>>, vector<1x64xf32>
    %add3A_225 = vector.broadcast %get3A_224 : vector<1x64xf32> to vector<64x64xf32>
    %add3A_226 = arith.addf %mul3A_221, %add3A_225 : vector<64x64xf32>
    %get3A_227 = arith.constant 0 : index
    %get3A_228 = arith.constant 0 : index
    %get3A_229 = vector.load %arg8[%get3A_227, %get3A_228] : memref<64x128xf32, #tpu.memory_space<vmem>>, vector<64x128xf32>
    %dot_general3A_230 = arith.constant dense<0.000000e+00> : vector<64x128xf32>
    %dot_general3A_231 = tpu.matmul %add3A_226, %get3A_229, %dot_general3A_230 {dimension_numbers = #tpu.dot_dimension_numbers<[1], [0], [0], [1], [0, 0, 1, 1], [], []>, transpose_lhs_hint = false} : vector<64x64xf32>, vector<64x128xf32>, vector<64x128xf32> -> vector<64x128xf32>
    %get3A_232 = arith.constant 0 : index
    %get3A_233 = arith.constant 0 : index
    %get3A_234 = vector.load %arg9[%get3A_232, %get3A_233] : memref<1x128xf32, #tpu.memory_space<vmem>>, vector<1x128xf32>
    %add3A_235 = vector.broadcast %get3A_234 : vector<1x128xf32> to vector<64x128xf32>
    %add3A_236 = arith.addf %dot_general3A_231, %add3A_235 : vector<64x128xf32>
    %swap3A = arith.constant 0 : index
    %swap3A_237 = arith.constant 0 : index
    %swap3A_238 = vector.load %arg10[%swap3A, %swap3A_237] : memref<64x128xf32, #tpu.memory_space<vmem>>, vector<64x128xf32>
    tpu.vector_store %arg10[%swap3A, %swap3A_237], %add3A_236 {strides = array<i32>} : memref<64x128xf32, #tpu.memory_space<vmem>>, vector<64x128xf32>,
    return
  }
}

</mosaic_0001>

<sc_bundles>
// kernel: kernel.5.cloned.1.call-start
scs
__scs_entry_jumppad:
0x0: {  	(pc) =	sbr.rel $0x88, $3  }
0x1: {  	(tag) =	ssettag $0x0;
	lr =	simm.s32 $0x1  }
0x2: {  	[smem:$0x3F96] =	sst lr;
	_ =	strace $0xD0000000  }
0x3: {  	_ = 	snop  }
0x4: {  	_ = 	snop  }
0x5: {  	_ = 	snop  }
0x6: {  	_ = 	snop  }
0x7: {  	_ = 	snop  }
__scs_overlays_trampoline_lowered:
0x8: {  	[smem:$0x3FA5] =	sst s0  }
0x9: {  	[smem:$0x3FA6] =	sst s1  }
0xa: {  	[smem:$0x3FA7] =	sst s2  }
0xb: {  	[smem:$0x3FA8] =	sst s3  }
0xc: {  	[smem:$0x3FA9] =	sst s4  }
0xd: {  	[smem:$0x3FAA] =	sst s5  }
0xe: {  	[smem:$0x3FAB] =	sst s6  }
0xf: {  	[smem:$0x3FAC] =	sst s7  }
0x10: {  	[smem:$0x3FAD] =	sst s8  }
0x11: {  	[smem:$0x3FAE] =	sst s9;
	s0 =	simm.s32 @!p0 $0x0  }
0x12: {  	s1 =	sld [smem:$0x3F94];
	s0 =	simm.s32 @p0 $0x1  }
0x13: {  	[smem:$0x3FAF] =	sst s0;
	s0 =	simm.s32 @!p1 $0x0  }
0x14: {  	s2 =	sld [smem:$0x3F93];
	s0 =	simm.s32 @p1 $0x1  }
0x15: {  	[smem:$0x3FB0] =	sst s0;
	s0 =	simm.s32 @!p2 $0x0  }
0x16: {  	s3 =	sld [smem:$0x3FDB];
	s0 =	simm.s32 @p2 $0x1  }
0x17: {  	s4 =	simm.s32 $0x1BF5;
	[smem:$0x3FB2] =	sst s0  }
0x18: {  	s0 =	sld [smem:$0x3F95];
	_ =	swait.ge [sflag:s4], $0x0  }
0x19: {  	s7 =	sld [smem:$0x3F96]  }
0x1a: {  	s8 =	sadd.s32 $0xFFFFE003, lr  }
0x1b: {  	s9 =	sadd.s32 $0xFFFFFEF7, lr;
	s5 =	simm.s32 $0xFFFFFFFF;
	p2 =	slt.u32 s8, $0xFFFFF086  }
0x1c: {  	p1 =	slt.u32 s9, $0xF7A;
	s5 =	simm.s32 @!p2 $0x0  }
0x1d: {  	s5 =	simm.s32 @p1 $0x1;
	p0 =	seq.s32 s7, s2  }
0x1e: {  	s7 =	smul.u32 @!p0 $0xF7A, s2;
	p2 =	seq.s32 @!p0 s5, $0x0  }
0x1f: {  	s9 =	smul.u32 $0xF7A, s1;
	s8 =	simm.s32 @!p0 $0x1BF5;
	p2 =	por !p2, p0  }
0x20: {  	[sflag:s8] =	ssyncset.s32 @!p0 $0xFFFFF086;
	s6 =	sadd.s32 @!p0 s3, s7;
	s7 =	simm.s32 @!p0 $0x108  }
0x21: {  	s3 =	sadd.s32 s3, s9;
	s6 =	sadd.s32 @!p0 $0x88, s6;
	s7 =	simm.s32 @p2 $0x1082  }
0x22: {  	[simem:s7], [sflag:s8] =	dma.local @!p0 [hbm:s6], $0xF7A  }
0x23: {  	s9 =	sor.u32 $0xD0000000, s2;
	s6 =	simm.s32 $0x108;
	_ =	swait.ge @!p0 [sflag:s8], $0x0  }
0x24: {  	s3 =	sadd.s32 $0x88, s3;
	s6 =	simm.s32 @!p1 $0x1082;
	[sflag:s4] =	ssyncset.s32 $0xFFFFF086  }
0x25: {  	[simem:s6], [sflag:s4] =	dma.local [hbm:s3], $0xF7A  }
0x26: {  	[smem:$0x3F96] =	sst s1;
	(tag) =	ssettag s2;
	_ =	strace s9  }
0x27: {  	s1 =	sld [smem:$0x3FA6]  }
0x28: {  	s2 =	sld [smem:$0x3FA7]  }
0x29: {  	s4 =	sld [smem:$0x3FA9]  }
0x2a: {  	p0 =	seq.s32 s5, $0x0;
	s5 =	sld [smem:$0x3FAA]  }
0x2b: {  	s6 =	sld [smem:$0x3FAB]  }
0x2c: {  	s7 =	sld [smem:$0x3FAC]  }
0x2d: {  	s3 =	simm.s32 $0x108;
	s8 =	sld [smem:$0x3FAD]  }
0x2e: {  	s3 =	simm.s32 @!p0 $0x1082;
	s9 =	sld [smem:$0x3FAE]  }
0x2f: {  	lr =	sadd.s32 s0, s3;
	s0 =	sld [smem:$0x3FA5]  }
0x30: {  	s3 =	sld [smem:$0x3FA8]  }
0x31: {  	[smem:$0x3FB1] =	sst s10  }
0x32: {  	s10 =	sld [smem:$0x3FAF];
	_ =	sdelay $0x3  }
0x33: {  	p0 =	seq.s32 s10, $0x1;
	s10 =	sld [smem:$0x3FB1];
	_ =	sdelay $0x3  }
0x34: {  	[smem:$0x3FB1] =	sst s10  }
0x35: {  	s10 =	sld [smem:$0x3FB0];
	_ =	sdelay $0x3  }
0x36: {  	p1 =	seq.s32 s10, $0x1;
	s10 =	sld [smem:$0x3FB1];
	_ =	sdelay $0x3  }
0x37: {  	[smem:$0x3FB1] =	sst s10  }
0x38: {  	s10 =	sld [smem:$0x3FB2]  }
0x39: {  	_ = 	snop;
	(pc) =	sbr.ind lr, $3  }
0x3a: {  	_ = 	snop  }
0x3b: {  	_ = 	snop  }
0x3c: {  	p2 =	seq.s32 s10, $0x1;
	s10 =	sld [smem:$0x3FB1]  }
0x3d: {  	_ =	shalt  }
0x3e: {  	_ =	shalt  }
0x3f: {  	_ =	shalt  }
0x40: {  	_ =	shalt  }
0x41: {  	_ =	shalt  }
0x42: {  	_ =	shalt  }
0x43: {  	_ =	shalt  }
0x44: {  	_ =	shalt  }
0x45: {  	_ =	shalt  }
0x46: {  	_ =	shalt  }
0x47: {  	_ =	shalt  }
0x48: {  	_ =	shalt  }
0x49: {  	_ =	shalt  }
0x4a: {  	_ =	shalt  }
0x4b: {  	_ =	shalt  }
0x4c: {  	_ =	shalt  }
0x4d: {  	_ =	shalt  }
0x4e: {  	_ =	shalt  }
0x4f: {  	_ =	shalt  }
0x50: {  	_ =	shalt  }
0x51: {  	_ =	shalt  }
0x52: {  	_ =	shalt  }
0x53: {  	_ =	shalt  }
0x54: {  	_ =	shalt  }
0x55: {  	_ =	shalt  }
0x56: {  	_ =	shalt  }
0x57: {  	_ =	shalt  }
0x58: {  	_ =	shalt  }
0x59: {  	_ =	shalt  }
0x5a: {  	_ =	shalt  }
0x5b: {  	_ =	shalt  }
0x5c: {  	_ =	shalt  }
0x5d: {  	_ =	shalt  }
0x5e: {  	_ =	shalt  }
0x5f: {  	_ =	shalt  }
0x60: {  	_ =	shalt  }
0x61: {  	_ =	shalt  }
0x62: {  	_ =	shalt  }
0x63: {  	_ =	shalt  }
0x64: {  	_ =	shalt  }
0x65: {  	_ =	shalt  }
0x66: {  	_ =	shalt  }
0x67: {  	_ =	shalt  }
0x68: {  	_ =	shalt  }
0x69: {  	_ =	shalt  }
0x6a: {  	_ =	shalt  }
0x6b: {  	_ =	shalt  }
0x6c: {  	_ =	shalt  }
0x6d: {  	_ =	shalt  }
0x6e: {  	_ =	shalt  }
0x6f: {  	_ =	shalt  }
0x70: {  	_ =	shalt  }
0x71: {  	_ =	shalt  }
0x72: {  	_ =	shalt  }
0x73: {  	_ =	shalt  }
0x74: {  	_ =	shalt  }
0x75: {  	_ =	shalt  }
0x76: {  	_ =	shalt  }
0x77: {  	_ =	shalt  }
0x78: {  	_ =	shalt  }
0x79: {  	_ =	shalt  }
0x7a: {  	_ =	shalt  }
0x7b: {  	_ =	shalt  }
0x7c: {  	_ =	shalt  }
0x7d: {  	_ =	shalt  }
0x7e: {  	_ =	shalt  }
0x7f: {  	_ =	shalt  }
0x80: {  	_ =	shalt  }
0x81: {  	_ =	shalt  }
0x82: {  	_ =	shalt  }
0x83: {  	_ =	shalt  }
0x84: {  	_ =	shalt  }
0x85: {  	_ =	shalt  }
0x86: {  	_ =	shalt  }
0x87: {  	_ =	shalt  }
.Lfunc_end0:
.L_simem_size_0:
called_computation_lowered:
.L_overlay_start_0:
0x88: {  	s2 =	sld [smem:$0x3FD9]  }
0x89: {  	s3 =	sld [smem:$0x3FFE];
	_ =	sdelay $0x1  }
0x8a: {  	s1 =	srdreg.scid  }
0x8b: {  	s0 =	sand.u32 $0x1, s1  }
0x8c: {  	s17 =	sshll.u32 s0, $0xA;
	s2 =	sadd.s32 s3, s2  }
0x8d: {  	s2 =	sadd.s32 s2, s17  }
0x8e: {  	[smem:$0x3FBD] =	sst s2  }
0x8f: {  	_ = 	snop  }
0x90: {  	s2 =	sld [smem:$0x3FC9];
	(tm) =	ssettm $0x1  }
0x91: {  	s18 =	sld [smem:$0x3FFB];
	_ =	sdelay $0x3  }
0x92: {  	_ =	strace s18  }
0x93: {  	s3 =	sld [smem:$0x3FFC];
	_ =	sdelay $0x3  }
0x94: {  	_ =	strace s3  }
0x95: {  	s3 =	sld [smem:$0x3FFD];
	_ =	sdelay $0x3  }
0x96: {  	_ =	strace s3  }
0x97: {  	_ =	strace $0x8FFFFFFF  }
0x98: {  	s19 =	sld [smem:$0x3FDB];
	_ =	sdelay $0x1  }
0x99: {  	s4 =	simm.s32 $_scs_section_size  }
0x9a: {  	s5 =	simm.s32 $_size__tile_overlayer_lowered;
	s6 =	simm.s32 $_tile_overlayer_lowered  }
0x9b: {  	s22 =	simm.s32 $0x1BFF;
	s21 =	sshll.u32 s6, $0x1;
	s3 =	sadd.s32 s4, s19  }
0x9c: {  	s7 =	simm.s32 $0x0;
	s20 =	sshll.u32 s5, $0x1;
	s5 =	sadd.s32 s21, s3  }
0x9d: {  	[timem:s7], [sflag:s22] =	dma.local [hbm:s5], s20  }
0x9e: {  	_ =	swait.ge [sflag:s22], s20  }
0x9f: {  	s4 =	ssub.s32 $0x0, s20;
	[sflag:s22] =	ssyncset.done $0x0  }
0xa0: {  	[sflag:s22] =	ssyncadd.s32 s4;
	_ =	sdelay $0x1  }
0xa1: {  	s23 =	simm.s32 $0x1B8B  }
0xa2: {  	_ =	swait.ge [sflag:s23], $0x1  }
0xa3: {  	[sflag:s23] =	ssyncset.done $0x0  }
0xa4: {  	s25 =	simm.s32 $0x1B8E;
	s24 =	sld [smem:$0x3FFE];
	[sflag:s23] =	ssyncadd.s32 $0xFFFFFFFF  }
0xa5: {  	s26 =	simm.s32 $execute0_lowered;
	[smem:$0x3FD2] =	sst s25  }
0xa6: {  	s5 =	sshll.u32 s26, $0x1;
	_ =	strace $0x80000046;
	[dreg:$0x1] =	wrdreg $0xFFFFFFFF  }
0xa7: {  	s28 =	simm.s32 $_size_execute0_lowered;
	s3 =	sadd.s32 s3, s5;
	[dreg:$0x0] =	wrdreg $0x0  }
0xa8: {  	s5 =	sshll.u32 s28, $0x1;
	[dreg:$0x2] =	wrdreg s3  }
0xa9: {  	[dreg:$0x3] =	wrdreg s5  }
0xaa: {  	[dreg:$0x4] =	wrdreg $0xC0  }
0xab: {  	_ =	task [dreg:s7], $0x5FFFF  }
0xac: {  	[dreg:$0x1] =	wrdreg $0xFFFFFFFF  }
0xad: {  	[dreg:$0x0] =	wrdreg $0x60  }
0xae: {  	[dreg:$0x2] =	wrdreg s2  }
0xaf: {  	[dreg:$0x3] =	wrdreg s24  }
0xb0: {  	[dreg:$0x4] =	wrdreg $0x9  }
0xb1: {  	_ =	task.clear_ibuf [dreg:s7], $0x5FFFF;
	_ =	strace $0x90000046  }
0xb2: {  	s29 =	simm.s32 $0x9;
	_ =	strace $0x80000048  }
0xb3: {  	_ =	swait.ge [sflag:s29], $0x1  }
0xb4: {  	[sflag:s29] =	ssyncadd.s32 $0xFFFFFFFF  }
0xb5: {  	_ =	strace $0x90000048  }
0xb6: {  	_ =	sfence  }
0xb7: {  	s30 =	sld [smem:$0x0];
	_ =	sdelay $0x2  }
0xb8: {  	s31 =	sshll.u32 s1, $0xD;
	s1 =	sshrl.u32 s1, $0x2  }
0xb9: {  	s3 =	sand.u32 $0x4000, s31;
	s1 =	sadd.s32 s1, s30  }
0xba: {  	s0 =	sor.u32 s3, s0;
	s1 =	sshll.u32 s1, $0x11  }
0xbb: {  	s0 =	sor.u32 s1, s0  }
0xbc: {  	s0 =	sadd.s32 $0x8F2B, s0  }
0xbd: {  	[sflag:s0] =	ssyncadd.remote.s32 $0x1  }
0xbe: {  	_ =	sfence.sel $0xFFFF  }
0xbf: {  	[dreg:$0x0] =	wrdreg $0xFFFFFFFF;
	(pc) =	sbr.abs _section_cstart, $3  }
0xc0: {  	[dreg:$0x1] =	wrdreg $0xFFFFFFFF  }
0xc1: {  	_ =	task.clear_ibuf [dreg:s7], $0x2FFFF;
	_ =	strace $0x9FFFFFFF  }
0xc2: {  	(tm) =	ssettm $0x7FFFFFFF  }
0xc3: {  	_ =	shalt  }
tec
execute0_lowered:
.L_overlay_start_1:
0x0: {  	(tag) =	ssettag $0x1  }
0x1: {  	s1 =	srdreg.scid  }
0x2: {  	s0 =	stileid.u32;
	s2 =	rddreg [dreg:$0x0];
	s6 =	sand.u32 $0x1, s1  }
0x3: {  	s9 =	rddreg [dreg:$0x1];
	s30 =	sshll.u32 s0, $0x7;
	s3 =	sshll.u32 s6, $0x6  }
0x4: {  	s7 =	simm.s32 $0x80;
	s8 =	simm.s32 $0x1;
	s10 =	sor.u32 s3, s30  }
0x5: {  	s1 =	rddreg [dreg:$0x2];
	s3 =	simm.s32 $0x0;
	s4 =	sshrl.u32 s10, $0x3  }
0x6: {  	s11 =	ssub.s32 $0x2, s6;
	[smem:$0x7FF] =	sst s3;
	s4 =	sadd.s32 s4, s9  }
0x7: {  	_ =	strace $0x80000047;
	s5 =	sadd.s32 $0x1A00, s4;
	s4 =	simm.s32 $0x2  }
0x8: {  	[tilespmem:s3], [sflag:$0x2] =	stream.linear.gather [hbm4b:s5+s3], $0x40, $0x38;
	[tilespmem:$0x2080] =	vst v63  }
0x9: {  	s6 =	simm.s32 $0x40;
	s12 =	sshrl.u32 s11, $0x1;
	_ =	swait.ge [sflag:s4], $0x40  }
0xa: {  	s10 =	sshll.u32 s10, $0x4;
	s31 =	ssub.s32 s11, s12;
	[sflag:s4] =	ssyncset.done $0x0  }
0xb: {  	s9 =	sadd.s32 s10, s9;
	s10 =	smax.u32 s31, $0x1;
	[sflag:s4] =	ssyncadd.s32 $0xFFFFFFC0  }
0xc: {  	[tilespmem:s7], [sflag:$0x1] =	stream.indirect.gather [hbm4b:s2+s6], $0x80, s3, s6, $0xb8;
	[tilespmem:$0x2080] =	vst v63  }
0xd: {  	p0 =	sne.s32 s10, $0x1;
	_ =	swait.ge [sflag:s8], $0x2000  }
.Ltmp0:
0xe: {  	[sflag:s8] =	ssyncset.done $0x0;
	(pc) =	sbr.rel @!p0 .LBB2_2-.Ltmp0, $4  }
0xf: {  	s9 =	sadd.s32 $0x2600, s9;
	[sflag:s8] =	ssyncadd.s32 $0xFFFFE000  }
0x10: {  	[hbm4b:s9+s3] =	stream.linear.scatter [tilespmem:s7], [sflag:$0x2], $0x2000, $0x38;
	[tilespmem:$0x2080] =	vst v63  }
0x11: {  	_ =	swait.ge [sflag:s4], $0x2000  }
0x12: {  	s10 =	sadd.s32 $0xFFFFFFFF, s10;
	[sflag:s4] =	ssyncset.done $0x0  }
.LBB2_1:
0x13: {  	p0 =	sne.s32 s10, $0x1;
	s10 =	sadd.s32 $0xFFFFFFFF, s10;
	[sflag:s4] =	ssyncadd.s32 $0xFFFFE000  }
0x14: {  	[tilespmem:s3], [sflag:$0x2] =	stream.linear.gather [hbm4b:s5+s3], $0x40, $0x38;
	[tilespmem:$0x2080] =	vst v63  }
0x15: {  	_ =	swait.ge [sflag:s4], $0x40  }
0x16: {  	[sflag:s4] =	ssyncset.done $0x0  }
0x17: {  	[sflag:s4] =	ssyncadd.s32 $0xFFFFFFC0  }
0x18: {  	[tilespmem:s7], [sflag:$0x1] =	stream.indirect.gather [hbm4b:s2+s6], $0x80, s3, s6, $0xb8;
	[tilespmem:$0x2080] =	vst v63  }
0x19: {  	_ =	swait.ge [sflag:s8], $0x2000  }
.Ltmp1:
0x1a: {  	[sflag:s8] =	ssyncset.done $0x0;
	(pc) =	sbr.rel @p0 .LBB2_1-.Ltmp1, $4  }
0x1b: {  	[sflag:s8] =	ssyncadd.s32 $0xFFFFE000  }
0x1c: {  	[hbm4b:s9+s3] =	stream.linear.scatter [tilespmem:s7], [sflag:$0x2], $0x2000, $0x38;
	[tilespmem:$0x2080] =	vst v63  }
0x1d: {  	_ =	swait.ge [sflag:s4], $0x2000  }
0x1e: {  	[sflag:s4] =	ssyncset.done $0x0  }
.LBB2_2:
0x1f: {  	[sflag:s4] =	ssyncadd.s32 $0xFFFFE000  }
0x20: {  	_ =	sfence.sel $0x180000  }
0x21: {  	[bflag:$0x0] =	sbarrier.arrive $0xFFFF  }
0x22: {  	p0 =	sne.s32 s0, $0x0;
	_ =	strace $0x90000047  }
0x23: {  	s0 =	sadd.s32 @!p0 $0x100000, s1;
	[bflag:$0x2] =	sbarrier.arrive $0xFFFF  }
0x24: {  	[sflag:s0] =	ssyncadd.tile.s32 @!p0 $0x1;
	_ =	shalt  }
.Lfunc_end2:
_tile_overlayer_lowered:
.L_overlay_start_2:
0x25: {  	(tag) =	ssettag $0x2  }
0x26: {  	s0 =	rddreg [dreg:$0x0];
	s2 =	stileid.u32  }
0x27: {  	s1 =	rddreg [dreg:$0x1];
	p0 =	sne.s32 s2, $0x0  }
0x28: {  	s3 =	rddreg [dreg:$0x2];
	[bflag:$0x3] =	sbarrier.arrive $0xFFFF;
	s2 =	simm.s32 @!p0 $0x1C02  }
0x29: {  	[timem:s3], [sflag:s2] =	dma.local @!p0 [hbm:s0], s1  }
0x2a: {  	s0 =	simm.s32 @!p0 $0x2  }
0x2b: {  	_ =	swait.ge @!p0 [sflag:s0], s1  }
0x2c: {  	s1 =	ssub.s32 @!p0 $0x0, s1;
	[sflag:s0] =	ssyncset.done @!p0 $0x0  }
0x2d: {  	[sflag:s0] =	ssyncadd.s32 @!p0 s1  }
0x2e: {  	[bflag:$0x3] =	sbarrier.arrive $0xFFFF  }
0x2f: {  	_ =	shalt  }

</sc_bundles>
